<compile_context>
chip_gen: v7x
topology: tpu7x:2x2x1
jax: 0.10.2.dev20260603
libtpu: 0.0.44.dev20260713+nightly
codegen_flags: <defaults>
</compile_context>

<pallas_src>
import functools
import math

import jax
import jax.numpy as jnp
from jax import lax
from jax.experimental import pallas as pl
from jax.experimental.pallas import tpu as pltpu
from jax.experimental.pallas import tpu_sc as plsc

PI = math.pi
SHIFT = math.log(2.0)
CUTOFF = 10.0

NC, NS = 2, 16
NW = NC * NS
CH = 128

FEAT = 128


def _proj_body(v_ref, w_ref, out_ref):
    out_ref[...] = jnp.dot(v_ref[...], w_ref[0],
                           preferred_element_type=jnp.float32)


def _softplus(x):
    return jnp.maximum(x, 0.0) + jnp.log(1.0 + jnp.exp(-jnp.abs(x)))


def _edge_body(d_ref, emb_ref, g_ref, w1_ref, b1_ref, w2_ref, b2_ref,
               sel_ref, msk_ref, one_ref, o_ref):
    x = jnp.dot(emb_ref[...], w1_ref[...],
                preferred_element_type=jnp.float32) + b1_ref[...]
    h = _softplus(x) - SHIFT
    w = jnp.dot(h, w2_ref[...],
                preferred_element_type=jnp.float32) + b2_ref[...]
    c2 = 0.5 * (jnp.cos(d_ref[0] * (PI / CUTOFF)) + 1.0)
    b = jnp.dot(sel_ref[...], c2, preferred_element_type=jnp.float32)
    c3 = jnp.dot(b * msk_ref[...], one_ref[...],
                 preferred_element_type=jnp.float32)
    o_ref[...] = g_ref[...] * (w * c3)


def _hull_body(fea_ref, g_ref, w1_ref, b1_ref, w2_ref, b2_ref, o_ref):
    x = jnp.dot(fea_ref[...], w1_ref[...],
                preferred_element_type=jnp.float32) + b1_ref[...]
    h = _softplus(x) - SHIFT
    w = jnp.dot(h, w2_ref[...],
                preferred_element_type=jnp.float32) + b2_ref[...]
    o_ref[...] = g_ref[...] * w


def _make_gather(ca, cb, alloc):
    mesh = plsc.VectorSubcoreMesh(core_axis_name="c", subcore_axis_name="s")
    mn, mx = min(ca, cb), max(ca, cb)

    @functools.partial(
        pl.kernel,
        mesh=mesh,
        out_type=jax.ShapeDtypeStruct((alloc, FEAT), jnp.float32),
        scratch_types=[
            pltpu.VMEM((mx * CH,), jnp.int32),
            pltpu.VMEM((CH, FEAT), jnp.float32),
            pltpu.SemaphoreType.DMA,
        ],
    )
    def gather_k(table_hbm, jj_hbm, out_hbm, idx_v, rows_v, sem):
        c = lax.axis_index("c")
        s = lax.axis_index("s")
        my = jnp.where(c == 0, ca, cb)
        base = jnp.where(c == 0, s * (ca * CH),
                         NS * (ca * CH) + s * (cb * CH))
        pltpu.sync_copy(jj_hbm.at[pl.ds(base, mx * CH)], idx_v)

        def body(k, carry):
            idx = idx_v.at[pl.ds(k * CH, CH)]
            pltpu.async_copy(table_hbm.at[idx], rows_v, sem).wait()
            pltpu.sync_copy(rows_v, out_hbm.at[pl.ds(base + k * CH, CH)])
            return carry

        lax.fori_loop(0, mn, body, 0)

        @pl.when(my > mn)
        def _():
            lax.fori_loop(mn, mx, body, 0)

    return gather_k


def kernel(v, dist, dist_emb, edge_index, fea_hull, edge_index_hull,
           lin_w, mlp_w1, mlp_b1, mlp_w2, mlp_b2,
           lin_hull_w, mlp_hull_w1, mlp_hull_b1, mlp_hull_w2, mlp_hull_b2):
    n_nodes, hidden = v.shape
    n_edges = dist.shape[0]
    n_hull = fea_hull.shape[0]
    ngauss = dist_emb.shape[1]
    hull_dim = fea_hull.shape[1]

    wt_stack = jnp.stack([lin_w.T, lin_hull_w.T])
    table = pl.pallas_call(
        _proj_body,
        grid=(2,),
        in_specs=[
            pl.BlockSpec((n_nodes, hidden), lambda i: (0, 0)),
            pl.BlockSpec((1, hidden, FEAT), lambda i: (i, 0, 0)),
        ],
        out_specs=pl.BlockSpec((n_nodes, FEAT), lambda i: (i, 0)),
        out_shape=jax.ShapeDtypeStruct((2 * n_nodes, FEAT), jnp.float32),
    )(v, wt_stack)

    j = edge_index[0].astype(jnp.int32)
    j_ = edge_index_hull[0].astype(jnp.int32) + n_nodes
    ntot = n_edges + n_hull
    cpw = -(-ntot // (NW * CH))
    ca, cb = cpw + 16, cpw - 16
    alloc = (NS * (ca + cb) + (max(ca, cb) - min(ca, cb))) * CH
    jj = jnp.concatenate(
        [j, j_, jnp.zeros((alloc - ntot,), jnp.int32)])
    g = _make_gather(ca, cb, alloc)(table, jj)
    ge = g
    gh = g

    eb = 3200
    nq = eb // 128
    d2 = dist.reshape(n_edges // eb, nq, 128)
    rows = jax.lax.broadcasted_iota(jnp.int32, (eb, 128), 0)
    lanes = jax.lax.broadcasted_iota(jnp.int32, (eb, 128), 1)
    qsel = jax.lax.broadcasted_iota(jnp.int32, (eb, nq), 1)
    sel = (rows[:, :nq] // 128 == qsel).astype(jnp.float32)
    msk = (lanes == rows % 128).astype(jnp.float32)
    onecol = jnp.ones((128, 1), jnp.float32)
    e = pl.pallas_call(
        _edge_body,
        grid=(n_edges // eb,),
        in_specs=[
            pl.BlockSpec((1, nq, 128), lambda i: (i, 0, 0)),
            pl.BlockSpec((eb, ngauss), lambda i: (i, 0)),
            pl.BlockSpec((eb, FEAT), lambda i: (i, 0)),
            pl.BlockSpec((ngauss, FEAT), lambda i: (0, 0)),
            pl.BlockSpec((1, FEAT), lambda i: (0, 0)),
            pl.BlockSpec((FEAT, FEAT), lambda i: (0, 0)),
            pl.BlockSpec((1, FEAT), lambda i: (0, 0)),
            pl.BlockSpec((eb, nq), lambda i: (0, 0)),
            pl.BlockSpec((eb, 128), lambda i: (0, 0)),
            pl.BlockSpec((128, 1), lambda i: (0, 0)),
        ],
        out_specs=pl.BlockSpec((eb, FEAT), lambda i: (i, 0)),
        out_shape=jax.ShapeDtypeStruct((n_edges, FEAT), jnp.float32),
    )(d2, dist_emb, ge, mlp_w1.T, mlp_b1.reshape(1, FEAT),
      mlp_w2.T, mlp_b2.reshape(1, FEAT), sel, msk, onecol)

    hb = 2000
    hull_off = n_edges // hb
    e_hull = pl.pallas_call(
        _hull_body,
        grid=(n_hull // hb,),
        in_specs=[
            pl.BlockSpec((hb, hull_dim), lambda i: (i, 0)),
            pl.BlockSpec((hb, FEAT), lambda i: (i + hull_off, 0)),
            pl.BlockSpec((hull_dim, FEAT), lambda i: (0, 0)),
            pl.BlockSpec((1, FEAT), lambda i: (0, 0)),
            pl.BlockSpec((FEAT, FEAT), lambda i: (0, 0)),
            pl.BlockSpec((1, FEAT), lambda i: (0, 0)),
        ],
        out_specs=pl.BlockSpec((hb, FEAT), lambda i: (i, 0)),
        out_shape=jax.ShapeDtypeStruct((n_hull, FEAT), jnp.float32),
    )(fea_hull, gh, mlp_hull_w1.T, mlp_hull_b1.reshape(1, FEAT),
      mlp_hull_w2.T, mlp_hull_b2.reshape(1, FEAT))

    return (e, e_hull)

# --- scband reference (transcript-rebuilt; emitter-appended) ---
"""Pipeline reference for scband-update-e-6975026889057 (READ-ONLY COPY).

The authoritative reference and input builder live on the scoring server;
editing this copy changes nothing except your own understanding.
"""

import jax, jax.numpy as jnp
import numpy as np
import math

PI = math.pi
SHIFT = math.log(2.0)
CUTOFF = 10.0

def _xavier(key, shape):
    fan_in, fan_out = shape[1], shape[0]
    a = math.sqrt(6.0 / (fan_in + fan_out))
    return jax.random.uniform(key, shape, dtype=jnp.float32, minval=-a, maxval=a)

def setup_inputs(seed: int = 0) -> dict:
    key = jax.random.key(seed)
    ks = jax.random.split(key, 16)
    n_nodes = 10000
    n_edges = 320000
    n_hull = 100000
    hidden = 128
    nfilt = 128
    ngauss = 50
    hull_dim = 7
    v = jax.random.normal(ks[0], (n_nodes, hidden), dtype=jnp.float32)
    dist = jax.random.uniform(ks[1], (n_edges,), dtype=jnp.float32)
    dist_emb = jax.random.normal(ks[2], (n_edges, ngauss), dtype=jnp.float32)
    edge_index = jax.random.randint(ks[3], (2, n_edges), 0, n_nodes, dtype=jnp.int64 if jax.config.read('jax_enable_x64') else jnp.int32)
    fea_hull = jax.random.normal(ks[4], (n_hull, hull_dim), dtype=jnp.float32)
    edge_index_hull = jax.random.randint(ks[5], (2, n_hull), 0, n_nodes, dtype=jnp.int64 if jax.config.read('jax_enable_x64') else jnp.int32)
    lin_w = _xavier(ks[6], (nfilt, hidden))
    mlp_w1 = _xavier(ks[7], (nfilt, ngauss))
    mlp_b1 = jnp.zeros((nfilt,), dtype=jnp.float32)
    mlp_w2 = _xavier(ks[8], (nfilt, nfilt))
    mlp_b2 = jax.random.uniform(ks[9], (nfilt,), dtype=jnp.float32, minval=-0.05, maxval=0.05)
    lin_hull_w = _xavier(ks[10], (nfilt, hidden))
    mlp_hull_w1 = _xavier(ks[11], (nfilt, hull_dim))
    mlp_hull_b1 = jnp.zeros((nfilt,), dtype=jnp.float32)
    mlp_hull_w2 = _xavier(ks[12], (nfilt, nfilt))
    mlp_hull_b2 = jax.random.uniform(ks[13], (nfilt,), dtype=jnp.float32, minval=-0.05, maxval=0.05)
    return {"v": v, "dist": dist, "dist_emb": dist_emb, "edge_index": edge_index,
            "fea_hull": fea_hull, "edge_index_hull": edge_index_hull,
            "lin_w": lin_w, "mlp_w1": mlp_w1, "mlp_b1": mlp_b1, "mlp_w2": mlp_w2, "mlp_b2": mlp_b2,
            "lin_hull_w": lin_hull_w, "mlp_hull_w1": mlp_hull_w1, "mlp_hull_b1": mlp_hull_b1,
            "mlp_hull_w2": mlp_hull_w2, "mlp_hull_b2": mlp_hull_b2}

def _shifted_softplus(x):
    return jax.nn.softplus(x) - SHIFT

def reference(v, dist, dist_emb, edge_index, fea_hull, edge_index_hull,
              lin_w, mlp_w1, mlp_b1, mlp_w2, mlp_b2,
              lin_hull_w, mlp_hull_w1, mlp_hull_b1, mlp_hull_w2, mlp_hull_b2):
    j = edge_index[0]
    C = 0.5 * (jnp.cos(dist * PI / CUTOFF) + 1.0)
    h = _shifted_softplus(dist_emb @ mlp_w1.T + mlp_b1)
    W = (h @ mlp_w2.T + mlp_b2) * C[:, None]
    v_ = v @ lin_w.T
    e = jnp.take(v_, j, axis=0) * W
    j_ = edge_index_hull[0]
    v_hull = v @ lin_hull_w.T
    h_hull = _shifted_softplus(fea_hull @ mlp_hull_w1.T + mlp_hull_b1)
    W_hull = h_hull @ mlp_hull_w2.T + mlp_hull_b2
    e_hull = jnp.take(v_hull, j_, axis=0) * W_hull
    return (e, e_hull)

if __name__ == "__main__":
    import jax
    _d = setup_inputs()
    print(jax.jit(kernel)(*tuple(_d.values())))

</pallas_src>

<mosaic_0001>
#map = affine_map<(d0, d1) -> (0, 0)>
#map1 = affine_map<(d0, d1) -> (0)>
module attributes {stable_mosaic.version = 14 : i64} {
  func.func @gather_k(%arg0: i32, %arg1: i32, %arg2: memref<20000x128xf32, #tpu.memory_space<hbm>>, %arg3: memref<425984xi32, #tpu.memory_space<hbm>>, %arg4: memref<425984x128xf32, #tpu.memory_space<hbm>>, %arg5: memref<15232xi32, #tpu.memory_space<vmem>>, %arg6: memref<128x128xf32, #tpu.memory_space<vmem>>, %arg7: memref<!tpu.dma_semaphore, #tpu.memory_space<semaphore_mem>>) attributes {dimension_semantics = [#tpu.dimension_semantics<core_parallel>, #tpu.dimension_semantics<subcore_parallel>], iteration_bounds = array<i64: 2, 16>, scalar_prefetch = 0 : i64, scratch_operands = 3 : i64, tpu.core_type = #tpu.core_type<sc_vector_subcore>, window_params = [{transform_indices = #map}, {transform_indices = #map1}, {transform_indices = #map}]} {
    %eq3A = arith.constant 0 : i32
    %eq3A_0 = arith.cmpi eq, %arg0, %eq3A : i32
    %jit3A = arith.constant 119 : i32
    %jit3A_1 = arith.constant 87 : i32
    %select_n3A = arith.select %eq3A_0, %jit3A, %jit3A_1 : i32
    %eq3A_2 = arith.constant 0 : i32
    %eq3A_3 = arith.cmpi eq, %arg0, %eq3A_2 : i32
    %mul3A = arith.constant 15232 : i32
    %mul3A_4 = arith.muli %arg1, %mul3A : i32
    %mul3A_5 = arith.constant 11136 : i32
    %mul3A_6 = arith.muli %arg1, %mul3A_5 : i32
    %add3A = arith.constant 243712 : i32
    %add3A_7 = arith.addi %add3A, %mul3A_6 : i32
    %select_n3A_8 = arith.select %eq3A_3, %mul3A_4, %add3A_7 : i32
    "tpu.region"() ({
      %run_scoped3A = tpu.sem_alloc : memref<!tpu.dma_semaphore, #tpu.memory_space<semaphore_mem>>
      %dma_start3A = tpu.memref_slice %arg3[%select_n3A_8] : memref<425984xi32, #tpu.memory_space<hbm>> -> memref<15232xi32, #tpu.memory_space<hbm>>
      %dma_start3A_16 = tpu.memref_slice %arg3[%select_n3A_8] : memref<425984xi32, #tpu.memory_space<hbm>> -> memref<15232xi32, #tpu.memory_space<hbm>>
      tpu.enqueue_dma source(%dma_start3A_16 : memref<15232xi32, #tpu.memory_space<hbm>>) target(%arg5 : memref<15232xi32, #tpu.memory_space<vmem>>) target_semaphore(%run_scoped3A : memref<!tpu.dma_semaphore, #tpu.memory_space<semaphore_mem>>)
      %dma_wait3A = tpu.memref_slice %arg3[%select_n3A_8] : memref<425984xi32, #tpu.memory_space<hbm>> -> memref<15232xi32, #tpu.memory_space<hbm>>
      %dma_wait3A_17 = tpu.memref_slice %arg3[%select_n3A_8] : memref<425984xi32, #tpu.memory_space<hbm>> -> memref<15232xi32, #tpu.memory_space<hbm>>
      tpu.wait_dma2 semaphore(%run_scoped3A : memref<!tpu.dma_semaphore, #tpu.memory_space<semaphore_mem>>) src(%dma_wait3A_17 : memref<15232xi32, #tpu.memory_space<hbm>>) dst(%arg5 : memref<15232xi32, #tpu.memory_space<vmem>>)
      tpu.yield
    }) : () -> ()
    %scan3A = arith.constant 0 : i32
    %scan3A_9 = arith.constant 0 : i32
    %scan3A_10 = arith.constant 87 : i32
    %scan3A_11 = arith.addi %scan3A_9, %scan3A_10 : i32
    %scan3A_12 = arith.constant 1 : i32
    scf.for %scan3A_16 = %scan3A_9 to %scan3A_11 step %scan3A_12  : i32 {
      %mul3A_17 = arith.constant 128 : i32
      %mul3A_18 = arith.muli %scan3A_16, %mul3A_17 : i32
      %dma_start3A = tpu.memref_slice %arg5[%mul3A_18] : memref<15232xi32, #tpu.memory_space<vmem>> -> memref<128xi32, #tpu.memory_space<vmem>>
      %dma_start3A_19 = arith.constant 0 : i32
      %dma_start3A_20 = arith.constant 0 : i32
      %dma_start3A_21 = tpu.memref_slice %arg2[%dma_start3A_19, %dma_start3A_20] : memref<20000x128xf32, #tpu.memory_space<hbm>> -> memref<20000x128xf32, #tpu.memory_space<hbm>>
      tpu.enqueue_indirect_dma source(%dma_start3A_21 : memref<20000x128xf32, #tpu.memory_space<hbm>>) target(%arg6 : memref<128x128xf32, #tpu.memory_space<vmem>>) offsets(%dma_start3A : memref<128xi32, #tpu.memory_space<vmem>>) semaphore(%arg7 : memref<!tpu.dma_semaphore, #tpu.memory_space<semaphore_mem>>)
      %dma_wait3A = tpu.memref_slice %arg5[%mul3A_18] : memref<15232xi32, #tpu.memory_space<vmem>> -> memref<128xi32, #tpu.memory_space<vmem>>
      %dma_wait3A_22 = arith.constant 0 : i32
      %dma_wait3A_23 = arith.constant 0 : i32
      %dma_wait3A_24 = tpu.memref_slice %arg2[%dma_wait3A_22, %dma_wait3A_23] : memref<20000x128xf32, #tpu.memory_space<hbm>> -> memref<20000x128xf32, #tpu.memory_space<hbm>>
      tpu.wait_indirect_dma semaphore(%arg7 : memref<!tpu.dma_semaphore, #tpu.memory_space<semaphore_mem>>) src(%dma_wait3A_24 : memref<20000x128xf32, #tpu.memory_space<hbm>>) dst(%arg6 : memref<128x128xf32, #tpu.memory_space<vmem>>)
      %mul3A_25 = arith.constant 128 : i32
      %mul3A_26 = arith.muli %scan3A_16, %mul3A_25 : i32
      %add3A_27 = arith.addi %select_n3A_8, %mul3A_26 : i32
      "tpu.region"() ({
        %run_scoped3A = tpu.sem_alloc : memref<!tpu.dma_semaphore, #tpu.memory_space<semaphore_mem>>
        %dma_start3A_28 = arith.constant 0 : i32
        %dma_start3A_29 = tpu.memref_slice %arg4[%add3A_27, %dma_start3A_28] : memref<425984x128xf32, #tpu.memory_space<hbm>> -> memref<128x128xf32, #tpu.memory_space<hbm>>
        %dma_start3A_30 = arith.constant 0 : i32
        %dma_start3A_31 = tpu.memref_slice %arg4[%add3A_27, %dma_start3A_30] : memref<425984x128xf32, #tpu.memory_space<hbm>> -> memref<128x128xf32, #tpu.memory_space<hbm>>
        tpu.enqueue_dma source(%arg6 : memref<128x128xf32, #tpu.memory_space<vmem>>) target(%dma_start3A_31 : memref<128x128xf32, #tpu.memory_space<hbm>>) target_semaphore(%run_scoped3A : memref<!tpu.dma_semaphore, #tpu.memory_space<semaphore_mem>>)
        %dma_wait3A_32 = arith.constant 0 : i32
        %dma_wait3A_33 = tpu.memref_slice %arg4[%add3A_27, %dma_wait3A_32] : memref<425984x128xf32, #tpu.memory_space<hbm>> -> memref<128x128xf32, #tpu.memory_space<hbm>>
        %dma_wait3A_34 = arith.constant 0 : i32
        %dma_wait3A_35 = tpu.memref_slice %arg4[%add3A_27, %dma_wait3A_34] : memref<425984x128xf32, #tpu.memory_space<hbm>> -> memref<128x128xf32, #tpu.memory_space<hbm>>
        tpu.wait_dma2 semaphore(%run_scoped3A : memref<!tpu.dma_semaphore, #tpu.memory_space<semaphore_mem>>) src(%arg6 : memref<128x128xf32, #tpu.memory_space<vmem>>) dst(%dma_wait3A_35 : memref<128x128xf32, #tpu.memory_space<hbm>>)
        tpu.yield
      }) : () -> ()
    }
    %scan3A_13 = arith.constant 87 : i32
    %gt3A = arith.constant 87 : i32
    %gt3A_14 = arith.cmpi sgt, %select_n3A, %gt3A : i32
    %convert_element_type3A = arith.extui %gt3A_14 : i1 to i32
    %cond3A = arith.constant 0 : i32
    %cond3A_15 = arith.cmpi ne, %convert_element_type3A, %cond3A : i32
    scf.if %cond3A_15 {
      %scan3A_16 = arith.constant 0 : i32
      %scan3A_17 = arith.constant 87 : i32
      %scan3A_18 = arith.constant 32 : i32
      %scan3A_19 = arith.addi %scan3A_17, %scan3A_18 : i32
      %scan3A_20 = arith.constant 1 : i32
      scf.for %scan3A_22 = %scan3A_17 to %scan3A_19 step %scan3A_20  : i32 {
        %mul3A_23 = arith.constant 128 : i32
        %mul3A_24 = arith.muli %scan3A_22, %mul3A_23 : i32
        %dma_start3A = tpu.memref_slice %arg5[%mul3A_24] : memref<15232xi32, #tpu.memory_space<vmem>> -> memref<128xi32, #tpu.memory_space<vmem>>
        %dma_start3A_25 = arith.constant 0 : i32
        %dma_start3A_26 = arith.constant 0 : i32
        %dma_start3A_27 = tpu.memref_slice %arg2[%dma_start3A_25, %dma_start3A_26] : memref<20000x128xf32, #tpu.memory_space<hbm>> -> memref<20000x128xf32, #tpu.memory_space<hbm>>
        tpu.enqueue_indirect_dma source(%dma_start3A_27 : memref<20000x128xf32, #tpu.memory_space<hbm>>) target(%arg6 : memref<128x128xf32, #tpu.memory_space<vmem>>) offsets(%dma_start3A : memref<128xi32, #tpu.memory_space<vmem>>) semaphore(%arg7 : memref<!tpu.dma_semaphore, #tpu.memory_space<semaphore_mem>>)
        %dma_wait3A = tpu.memref_slice %arg5[%mul3A_24] : memref<15232xi32, #tpu.memory_space<vmem>> -> memref<128xi32, #tpu.memory_space<vmem>>
        %dma_wait3A_28 = arith.constant 0 : i32
        %dma_wait3A_29 = arith.constant 0 : i32
        %dma_wait3A_30 = tpu.memref_slice %arg2[%dma_wait3A_28, %dma_wait3A_29] : memref<20000x128xf32, #tpu.memory_space<hbm>> -> memref<20000x128xf32, #tpu.memory_space<hbm>>
        tpu.wait_indirect_dma semaphore(%arg7 : memref<!tpu.dma_semaphore, #tpu.memory_space<semaphore_mem>>) src(%dma_wait3A_30 : memref<20000x128xf32, #tpu.memory_space<hbm>>) dst(%arg6 : memref<128x128xf32, #tpu.memory_space<vmem>>)
        %mul3A_31 = arith.constant 128 : i32
        %mul3A_32 = arith.muli %scan3A_22, %mul3A_31 : i32
        %add3A_33 = arith.addi %select_n3A_8, %mul3A_32 : i32
        "tpu.region"() ({
          %run_scoped3A = tpu.sem_alloc : memref<!tpu.dma_semaphore, #tpu.memory_space<semaphore_mem>>
          %dma_start3A_34 = arith.constant 0 : i32
          %dma_start3A_35 = tpu.memref_slice %arg4[%add3A_33, %dma_start3A_34] : memref<425984x128xf32, #tpu.memory_space<hbm>> -> memref<128x128xf32, #tpu.memory_space<hbm>>
          %dma_start3A_36 = arith.constant 0 : i32
          %dma_start3A_37 = tpu.memref_slice %arg4[%add3A_33, %dma_start3A_36] : memref<425984x128xf32, #tpu.memory_space<hbm>> -> memref<128x128xf32, #tpu.memory_space<hbm>>
          tpu.enqueue_dma source(%arg6 : memref<128x128xf32, #tpu.memory_space<vmem>>) target(%dma_start3A_37 : memref<128x128xf32, #tpu.memory_space<hbm>>) target_semaphore(%run_scoped3A : memref<!tpu.dma_semaphore, #tpu.memory_space<semaphore_mem>>)
          %dma_wait3A_38 = arith.constant 0 : i32
          %dma_wait3A_39 = tpu.memref_slice %arg4[%add3A_33, %dma_wait3A_38] : memref<425984x128xf32, #tpu.memory_space<hbm>> -> memref<128x128xf32, #tpu.memory_space<hbm>>
          %dma_wait3A_40 = arith.constant 0 : i32
          %dma_wait3A_41 = tpu.memref_slice %arg4[%add3A_33, %dma_wait3A_40] : memref<425984x128xf32, #tpu.memory_space<hbm>> -> memref<128x128xf32, #tpu.memory_space<hbm>>
          tpu.wait_dma2 semaphore(%run_scoped3A : memref<!tpu.dma_semaphore, #tpu.memory_space<semaphore_mem>>) src(%arg6 : memref<128x128xf32, #tpu.memory_space<vmem>>) dst(%dma_wait3A_41 : memref<128x128xf32, #tpu.memory_space<hbm>>)
          tpu.yield
        }) : () -> ()
      }
      %scan3A_21 = arith.constant 32 : i32
    } else {
    }
    return
  }
}

module attributes {stable_mosaic.version = 14 : i64} {
  func.func @_proj_body(%arg0: i32, %arg1: memref<10000x128xf32, #tpu.memory_space<vmem>>, %arg2: memref<1x128x128xf32, #tpu.memory_space<vmem>>, %arg3: memref<10000x128xf32, #tpu.memory_space<vmem>>) attributes {dimension_semantics = [#tpu.dimension_semantics<arbitrary>], iteration_bounds = array<i64: 2>, scalar_prefetch = 0 : i64, scratch_operands = 0 : i64, tpu.core_type = #tpu.core_type<tc>, window_params = [{pipeline_mode = #tpu.pipeline_mode<synchronous>, transform_indices = @transform_0, window_bounds = array<i64: 10000, 128>}, {transform_indices = @transform_1, window_bounds = array<i64: 1, 128, 128>}, {transform_indices = @transform_2, window_bounds = array<i64: 10000, 128>}]} {
    %get3A = arith.constant 0 : index
    %get3A_0 = arith.constant 0 : index
    %get3A_1 = vector.load %arg1[%get3A, %get3A_0] : memref<10000x128xf32, #tpu.memory_space<vmem>>, vector<10000x128xf32>
    %get3A_2 = arith.constant 0 : index
    %get3A_3 = arith.constant 0 : index
    %get3A_4 = arith.constant 0 : index
    %get3A_5 = vector.load %arg2[%get3A_2, %get3A_3, %get3A_4] : memref<1x128x128xf32, #tpu.memory_space<vmem>>, vector<1x128x128xf32>
    %get3A_6 = vector.shape_cast %get3A_5 : vector<1x128x128xf32> to vector<128x128xf32>
    %dot_general3A = arith.constant dense<0.000000e+00> : vector<10000x128xf32>
    %dot_general3A_7 = tpu.matmul %get3A_1, %get3A_6, %dot_general3A {dimension_numbers = #tpu.dot_dimension_numbers<[1], [0], [0], [1], [0, 0, 1, 1], [], []>, transpose_lhs_hint = false} : vector<10000x128xf32>, vector<128x128xf32>, vector<10000x128xf32> -> vector<10000x128xf32>
    %swap3A = arith.constant 0 : index
    %swap3A_8 = arith.constant 0 : index
    %swap3A_9 = vector.load %arg3[%swap3A, %swap3A_8] : memref<10000x128xf32, #tpu.memory_space<vmem>>, vector<10000x128xf32>
    tpu.vector_store %arg3[%swap3A, %swap3A_8], %dot_general3A_7 {strides = array<i32>} : memref<10000x128xf32, #tpu.memory_space<vmem>>, vector<10000x128xf32>,
    return
  }
  func.func @transform_0(%arg0: i32) -> (i32, i32) {
    %c0_i32 = arith.constant 0 : i32
    %c0_i32_0 = arith.constant 0 : i32
    %c0_i32_1 = arith.constant 0 : i32
    return %c0_i32, %c0_i32_0 : i32, i32
  }
  func.func @transform_1(%arg0: i32) -> (i32, i32, i32) {
    %c0_i32 = arith.constant 0 : i32
    %c0_i32_0 = arith.constant 0 : i32
    %c0_i32_1 = arith.constant 0 : i32
    return %arg0, %c0_i32, %c0_i32_0 : i32, i32, i32
  }
  func.func @transform_2(%arg0: i32) -> (i32, i32) {
    %c0_i32 = arith.constant 0 : i32
    %c0_i32_0 = arith.constant 0 : i32
    return %arg0, %c0_i32 : i32, i32
  }
}

module attributes {stable_mosaic.version = 14 : i64} {
  func.func @_hull_body(%arg0: i32, %arg1: memref<2000x7xf32, #tpu.memory_space<vmem>>, %arg2: memref<2000x128xf32, #tpu.memory_space<vmem>>, %arg3: memref<7x128xf32, #tpu.memory_space<vmem>>, %arg4: memref<1x128xf32, #tpu.memory_space<vmem>>, %arg5: memref<128x128xf32, #tpu.memory_space<vmem>>, %arg6: memref<1x128xf32, #tpu.memory_space<vmem>>, %arg7: memref<2000x128xf32, #tpu.memory_space<vmem>>) attributes {dimension_semantics = [#tpu.dimension_semantics<arbitrary>], iteration_bounds = array<i64: 50>, scalar_prefetch = 0 : i64, scratch_operands = 0 : i64, tpu.core_type = #tpu.core_type<tc>, window_params = [{transform_indices = @transform_0, window_bounds = array<i64: 2000, 7>}, {transform_indices = @transform_1, window_bounds = array<i64: 2000, 128>}, {pipeline_mode = #tpu.pipeline_mode<synchronous>, transform_indices = @transform_2, window_bounds = array<i64: 7, 128>}, {pipeline_mode = #tpu.pipeline_mode<synchronous>, transform_indices = @transform_3, window_bounds = array<i64: 1, 128>}, {pipeline_mode = #tpu.pipeline_mode<synchronous>, transform_indices = @transform_4, window_bounds = array<i64: 128, 128>}, {pipeline_mode = #tpu.pipeline_mode<synchronous>, transform_indices = @transform_5, window_bounds = array<i64: 1, 128>}, {transform_indices = @transform_6, window_bounds = array<i64: 2000, 128>}]} {
    %get3A = arith.constant 0 : index
    %get3A_0 = arith.constant 0 : index
    %get3A_1 = vector.load %arg1[%get3A, %get3A_0] : memref<2000x7xf32, #tpu.memory_space<vmem>>, vector<2000x7xf32>
    %get3A_2 = arith.constant 0 : index
    %get3A_3 = arith.constant 0 : index
    %get3A_4 = vector.load %arg3[%get3A_2, %get3A_3] : memref<7x128xf32, #tpu.memory_space<vmem>>, vector<7x128xf32>
    %dot_general3A = arith.constant dense<0.000000e+00> : vector<2000x128xf32>
    %dot_general3A_5 = tpu.matmul %get3A_1, %get3A_4, %dot_general3A {dimension_numbers = #tpu.dot_dimension_numbers<[1], [0], [0], [1], [0, 0, 1, 1], [], []>, transpose_lhs_hint = false} : vector<2000x7xf32>, vector<7x128xf32>, vector<2000x128xf32> -> vector<2000x128xf32>
    %get3A_6 = arith.constant 0 : index
    %get3A_7 = arith.constant 0 : index
    %get3A_8 = vector.load %arg4[%get3A_6, %get3A_7] : memref<1x128xf32, #tpu.memory_space<vmem>>, vector<1x128xf32>
    %add3A = vector.broadcast %get3A_8 : vector<1x128xf32> to vector<2000x128xf32>
    %add3A_9 = arith.addf %dot_general3A_5, %add3A : vector<2000x128xf32>
    %max3A = arith.constant 0.000000e+00 : f32
    %max3A_10 = vector.broadcast %max3A : f32 to vector<2000x128xf32>
    %max3A_11 = arith.maximumf %add3A_9, %max3A_10 : vector<2000x128xf32>
    %abs3A = math.absf %add3A_9 : vector<2000x128xf32>
    %neg3A = arith.constant 0.000000e+00 : f32
    %neg3A_12 = vector.broadcast %neg3A : f32 to vector<2000x128xf32>
    %neg3A_13 = arith.subf %neg3A_12, %abs3A : vector<2000x128xf32>
    %exp3A = math.exp %neg3A_13 : vector<2000x128xf32>
    %add3A_14 = arith.constant 1.000000e+00 : f32
    %add3A_15 = vector.broadcast %add3A_14 : f32 to vector<2000x128xf32>
    %add3A_16 = arith.addf %add3A_15, %exp3A : vector<2000x128xf32>
    %log3A = math.log %add3A_16 : vector<2000x128xf32>
    %add3A_17 = arith.addf %max3A_11, %log3A : vector<2000x128xf32>
    %sub3A = arith.constant 0.693147182 : f32
    %sub3A_18 = vector.broadcast %sub3A : f32 to vector<2000x128xf32>
    %sub3A_19 = arith.subf %add3A_17, %sub3A_18 : vector<2000x128xf32>
    %get3A_20 = arith.constant 0 : index
    %get3A_21 = arith.constant 0 : index
    %get3A_22 = vector.load %arg5[%get3A_20, %get3A_21] : memref<128x128xf32, #tpu.memory_space<vmem>>, vector<128x128xf32>
    %dot_general3A_23 = arith.constant dense<0.000000e+00> : vector<2000x128xf32>
    %dot_general3A_24 = tpu.matmul %sub3A_19, %get3A_22, %dot_general3A_23 {dimension_numbers = #tpu.dot_dimension_numbers<[1], [0], [0], [1], [0, 0, 1, 1], [], []>, transpose_lhs_hint = false} : vector<2000x128xf32>, vector<128x128xf32>, vector<2000x128xf32> -> vector<2000x128xf32>
    %get3A_25 = arith.constant 0 : index
    %get3A_26 = arith.constant 0 : index
    %get3A_27 = vector.load %arg6[%get3A_25, %get3A_26] : memref<1x128xf32, #tpu.memory_space<vmem>>, vector<1x128xf32>
    %add3A_28 = vector.broadcast %get3A_27 : vector<1x128xf32> to vector<2000x128xf32>
    %add3A_29 = arith.addf %dot_general3A_24, %add3A_28 : vector<2000x128xf32>
    %get3A_30 = arith.constant 0 : index
    %get3A_31 = arith.constant 0 : index
    %get3A_32 = vector.load %arg2[%get3A_30, %get3A_31] : memref<2000x128xf32, #tpu.memory_space<vmem>>, vector<2000x128xf32>
    %mul3A = arith.mulf %get3A_32, %add3A_29 : vector<2000x128xf32>
    %swap3A = arith.constant 0 : index
    %swap3A_33 = arith.constant 0 : index
    %swap3A_34 = vector.load %arg7[%swap3A, %swap3A_33] : memref<2000x128xf32, #tpu.memory_space<vmem>>, vector<2000x128xf32>
    tpu.vector_store %arg7[%swap3A, %swap3A_33], %mul3A {strides = array<i32>} : memref<2000x128xf32, #tpu.memory_space<vmem>>, vector<2000x128xf32>,
    return
  }
  func.func @transform_0(%arg0: i32) -> (i32, i32) {
    %c0_i32 = arith.constant 0 : i32
    %c0_i32_0 = arith.constant 0 : i32
    return %arg0, %c0_i32 : i32, i32
  }
  func.func @transform_1(%arg0: i32) -> (i32, i32) {
    %add3A = arith.constant 160 : i32
    %add3A_0 = arith.addi %arg0, %add3A : i32
    %c0_i32 = arith.constant 0 : i32
    %c0_i32_1 = arith.constant 0 : i32
    return %add3A_0, %c0_i32 : i32, i32
  }
  func.func @transform_2(%arg0: i32) -> (i32, i32) {
    %c0_i32 = arith.constant 0 : i32
    %c0_i32_0 = arith.constant 0 : i32
    %c0_i32_1 = arith.constant 0 : i32
    return %c0_i32, %c0_i32_0 : i32, i32
  }
  func.func @transform_3(%arg0: i32) -> (i32, i32) {
    %c0_i32 = arith.constant 0 : i32
    %c0_i32_0 = arith.constant 0 : i32
    %c0_i32_1 = arith.constant 0 : i32
    return %c0_i32, %c0_i32_0 : i32, i32
  }
  func.func @transform_4(%arg0: i32) -> (i32, i32) {
    %c0_i32 = arith.constant 0 : i32
    %c0_i32_0 = arith.constant 0 : i32
    %c0_i32_1 = arith.constant 0 : i32
    return %c0_i32, %c0_i32_0 : i32, i32
  }
  func.func @transform_5(%arg0: i32) -> (i32, i32) {
    %c0_i32 = arith.constant 0 : i32
    %c0_i32_0 = arith.constant 0 : i32
    %c0_i32_1 = arith.constant 0 : i32
    return %c0_i32, %c0_i32_0 : i32, i32
  }
  func.func @transform_6(%arg0: i32) -> (i32, i32) {
    %c0_i32 = arith.constant 0 : i32
    %c0_i32_0 = arith.constant 0 : i32
    return %arg0, %c0_i32 : i32, i32
  }
}

module attributes {stable_mosaic.version = 14 : i64} {
  func.func @_edge_body(%arg0: i32, %arg1: memref<1x25x128xf32, #tpu.memory_space<vmem>>, %arg2: memref<3200x50xf32, #tpu.memory_space<vmem>>, %arg3: memref<3200x128xf32, #tpu.memory_space<vmem>>, %arg4: memref<50x128xf32, #tpu.memory_space<vmem>>, %arg5: memref<1x128xf32, #tpu.memory_space<vmem>>, %arg6: memref<128x128xf32, #tpu.memory_space<vmem>>, %arg7: memref<1x128xf32, #tpu.memory_space<vmem>>, %arg8: memref<3200x25xf32, #tpu.memory_space<vmem>>, %arg9: memref<3200x128xf32, #tpu.memory_space<vmem>>, %arg10: memref<128x1xf32, #tpu.memory_space<vmem>>, %arg11: memref<3200x128xf32, #tpu.memory_space<vmem>>) attributes {dimension_semantics = [#tpu.dimension_semantics<arbitrary>], iteration_bounds = array<i64: 100>, scalar_prefetch = 0 : i64, scratch_operands = 0 : i64, tpu.core_type = #tpu.core_type<tc>, window_params = [{transform_indices = @transform_0, window_bounds = array<i64: 1, 25, 128>}, {transform_indices = @transform_1, window_bounds = array<i64: 3200, 50>}, {transform_indices = @transform_2, window_bounds = array<i64: 3200, 128>}, {pipeline_mode = #tpu.pipeline_mode<synchronous>, transform_indices = @transform_3, window_bounds = array<i64: 50, 128>}, {pipeline_mode = #tpu.pipeline_mode<synchronous>, transform_indices = @transform_4, window_bounds = array<i64: 1, 128>}, {pipeline_mode = #tpu.pipeline_mode<synchronous>, transform_indices = @transform_5, window_bounds = array<i64: 128, 128>}, {pipeline_mode = #tpu.pipeline_mode<synchronous>, transform_indices = @transform_6, window_bounds = array<i64: 1, 128>}, {pipeline_mode = #tpu.pipeline_mode<synchronous>, transform_indices = @transform_7, window_bounds = array<i64: 3200, 25>}, {pipeline_mode = #tpu.pipeline_mode<synchronous>, transform_indices = @transform_8, window_bounds = array<i64: 3200, 128>}, {pipeline_mode = #tpu.pipeline_mode<synchronous>, transform_indices = @transform_9, window_bounds = array<i64: 128, 1>}, {transform_indices = @transform_10, window_bounds = array<i64: 3200, 128>}]} {
    %get3A = arith.constant 0 : index
    %get3A_0 = arith.constant 0 : index
    %get3A_1 = vector.load %arg2[%get3A, %get3A_0] : memref<3200x50xf32, #tpu.memory_space<vmem>>, vector<3200x50xf32>
    %get3A_2 = arith.constant 0 : index
    %get3A_3 = arith.constant 0 : index
    %get3A_4 = vector.load %arg4[%get3A_2, %get3A_3] : memref<50x128xf32, #tpu.memory_space<vmem>>, vector<50x128xf32>
    %dot_general3A = arith.constant dense<0.000000e+00> : vector<3200x128xf32>
    %dot_general3A_5 = tpu.matmul %get3A_1, %get3A_4, %dot_general3A {dimension_numbers = #tpu.dot_dimension_numbers<[1], [0], [0], [1], [0, 0, 1, 1], [], []>, transpose_lhs_hint = false} : vector<3200x50xf32>, vector<50x128xf32>, vector<3200x128xf32> -> vector<3200x128xf32>
    %get3A_6 = arith.constant 0 : index
    %get3A_7 = arith.constant 0 : index
    %get3A_8 = vector.load %arg5[%get3A_6, %get3A_7] : memref<1x128xf32, #tpu.memory_space<vmem>>, vector<1x128xf32>
    %add3A = vector.broadcast %get3A_8 : vector<1x128xf32> to vector<3200x128xf32>
    %add3A_9 = arith.addf %dot_general3A_5, %add3A : vector<3200x128xf32>
    %max3A = arith.constant 0.000000e+00 : f32
    %max3A_10 = vector.broadcast %max3A : f32 to vector<3200x128xf32>
    %max3A_11 = arith.maximumf %add3A_9, %max3A_10 : vector<3200x128xf32>
    %abs3A = math.absf %add3A_9 : vector<3200x128xf32>
    %neg3A = arith.constant 0.000000e+00 : f32
    %neg3A_12 = vector.broadcast %neg3A : f32 to vector<3200x128xf32>
    %neg3A_13 = arith.subf %neg3A_12, %abs3A : vector<3200x128xf32>
    %exp3A = math.exp %neg3A_13 : vector<3200x128xf32>
    %add3A_14 = arith.constant 1.000000e+00 : f32
    %add3A_15 = vector.broadcast %add3A_14 : f32 to vector<3200x128xf32>
    %add3A_16 = arith.addf %add3A_15, %exp3A : vector<3200x128xf32>
    %log3A = math.log %add3A_16 : vector<3200x128xf32>
    %add3A_17 = arith.addf %max3A_11, %log3A : vector<3200x128xf32>
    %sub3A = arith.constant 0.693147182 : f32
    %sub3A_18 = vector.broadcast %sub3A : f32 to vector<3200x128xf32>
    %sub3A_19 = arith.subf %add3A_17, %sub3A_18 : vector<3200x128xf32>
    %get3A_20 = arith.constant 0 : index
    %get3A_21 = arith.constant 0 : index
    %get3A_22 = vector.load %arg6[%get3A_20, %get3A_21] : memref<128x128xf32, #tpu.memory_space<vmem>>, vector<128x128xf32>
    %dot_general3A_23 = arith.constant dense<0.000000e+00> : vector<3200x128xf32>
    %dot_general3A_24 = tpu.matmul %sub3A_19, %get3A_22, %dot_general3A_23 {dimension_numbers = #tpu.dot_dimension_numbers<[1], [0], [0], [1], [0, 0, 1, 1], [], []>, transpose_lhs_hint = false} : vector<3200x128xf32>, vector<128x128xf32>, vector<3200x128xf32> -> vector<3200x128xf32>
    %get3A_25 = arith.constant 0 : index
    %get3A_26 = arith.constant 0 : index
    %get3A_27 = vector.load %arg7[%get3A_25, %get3A_26] : memref<1x128xf32, #tpu.memory_space<vmem>>, vector<1x128xf32>
    %add3A_28 = vector.broadcast %get3A_27 : vector<1x128xf32> to vector<3200x128xf32>
    %add3A_29 = arith.addf %dot_general3A_24, %add3A_28 : vector<3200x128xf32>
    %get3A_30 = arith.constant 0 : index
    %get3A_31 = arith.constant 0 : index
    %get3A_32 = arith.constant 0 : index
    %get3A_33 = vector.load %arg1[%get3A_30, %get3A_31, %get3A_32] : memref<1x25x128xf32, #tpu.memory_space<vmem>>, vector<1x25x128xf32>
    %get3A_34 = vector.shape_cast %get3A_33 : vector<1x25x128xf32> to vector<25x128xf32>
    %mul3A = arith.constant 0.314159274 : f32
    %mul3A_35 = vector.broadcast %mul3A : f32 to vector<25x128xf32>
    %mul3A_36 = arith.mulf %get3A_34, %mul3A_35 : vector<25x128xf32>
    %cos3A = math.cos %mul3A_36 : vector<25x128xf32>
    %add3A_37 = arith.constant 1.000000e+00 : f32
    %add3A_38 = vector.broadcast %add3A_37 : f32 to vector<25x128xf32>
    %add3A_39 = arith.addf %cos3A, %add3A_38 : vector<25x128xf32>
    %mul3A_40 = arith.constant 5.000000e-01 : f32
    %mul3A_41 = vector.broadcast %mul3A_40 : f32 to vector<25x128xf32>
    %mul3A_42 = arith.mulf %mul3A_41, %add3A_39 : vector<25x128xf32>
    %get3A_43 = arith.constant 0 : index
    %get3A_44 = arith.constant 0 : index
    %get3A_45 = vector.load %arg8[%get3A_43, %get3A_44] : memref<3200x25xf32, #tpu.memory_space<vmem>>, vector<3200x25xf32>
    %dot_general3A_46 = arith.constant dense<0.000000e+00> : vector<3200x128xf32>
    %dot_general3A_47 = tpu.matmul %get3A_45, %mul3A_42, %dot_general3A_46 {dimension_numbers = #tpu.dot_dimension_numbers<[1], [0], [0], [1], [0, 0, 1, 1], [], []>, transpose_lhs_hint = false} : vector<3200x25xf32>, vector<25x128xf32>, vector<3200x128xf32> -> vector<3200x128xf32>
    %get3A_48 = arith.constant 0 : index
    %get3A_49 = arith.constant 0 : index
    %get3A_50 = vector.load %arg9[%get3A_48, %get3A_49] : memref<3200x128xf32, #tpu.memory_space<vmem>>, vector<3200x128xf32>
    %mul3A_51 = arith.mulf %dot_general3A_47, %get3A_50 : vector<3200x128xf32>
    %get3A_52 = arith.constant 0 : index
    %get3A_53 = arith.constant 0 : index
    %get3A_54 = vector.load %arg10[%get3A_52, %get3A_53] : memref<128x1xf32, #tpu.memory_space<vmem>>, vector<128x1xf32>
    %dot_general3A_55 = arith.constant dense<0.000000e+00> : vector<3200x1xf32>
    %dot_general3A_56 = tpu.matmul %mul3A_51, %get3A_54, %dot_general3A_55 {dimension_numbers = #tpu.dot_dimension_numbers<[1], [0], [0], [1], [0, 0, 1, 1], [], []>, transpose_lhs_hint = false} : vector<3200x128xf32>, vector<128x1xf32>, vector<3200x1xf32> -> vector<3200x1xf32>
    %get3A_57 = arith.constant 0 : index
    %get3A_58 = arith.constant 0 : index
    %get3A_59 = vector.load %arg3[%get3A_57, %get3A_58] : memref<3200x128xf32, #tpu.memory_space<vmem>>, vector<3200x128xf32>
    %mul3A_60 = vector.broadcast %dot_general3A_56 : vector<3200x1xf32> to vector<3200x128xf32>
    %mul3A_61 = arith.mulf %add3A_29, %mul3A_60 : vector<3200x128xf32>
    %mul3A_62 = arith.mulf %get3A_59, %mul3A_61 : vector<3200x128xf32>
    %swap3A = arith.constant 0 : index
    %swap3A_63 = arith.constant 0 : index
    %swap3A_64 = vector.load %arg11[%swap3A, %swap3A_63] : memref<3200x128xf32, #tpu.memory_space<vmem>>, vector<3200x128xf32>
    tpu.vector_store %arg11[%swap3A, %swap3A_63], %mul3A_62 {strides = array<i32>} : memref<3200x128xf32, #tpu.memory_space<vmem>>, vector<3200x128xf32>,
    return
  }
  func.func @transform_0(%arg0: i32) -> (i32, i32, i32) {
    %c0_i32 = arith.constant 0 : i32
    %c0_i32_0 = arith.constant 0 : i32
    %c0_i32_1 = arith.constant 0 : i32
    return %arg0, %c0_i32, %c0_i32_0 : i32, i32, i32
  }
  func.func @transform_1(%arg0: i32) -> (i32, i32) {
    %c0_i32 = arith.constant 0 : i32
    %c0_i32_0 = arith.constant 0 : i32
    return %arg0, %c0_i32 : i32, i32
  }
  func.func @transform_2(%arg0: i32) -> (i32, i32) {
    %c0_i32 = arith.constant 0 : i32
    %c0_i32_0 = arith.constant 0 : i32
    return %arg0, %c0_i32 : i32, i32
  }
  func.func @transform_3(%arg0: i32) -> (i32, i32) {
    %c0_i32 = arith.constant 0 : i32
    %c0_i32_0 = arith.constant 0 : i32
    %c0_i32_1 = arith.constant 0 : i32
    return %c0_i32, %c0_i32_0 : i32, i32
  }
  func.func @transform_4(%arg0: i32) -> (i32, i32) {
    %c0_i32 = arith.constant 0 : i32
    %c0_i32_0 = arith.constant 0 : i32
    %c0_i32_1 = arith.constant 0 : i32
    return %c0_i32, %c0_i32_0 : i32, i32
  }
  func.func @transform_5(%arg0: i32) -> (i32, i32) {
    %c0_i32 = arith.constant 0 : i32
    %c0_i32_0 = arith.constant 0 : i32
    %c0_i32_1 = arith.constant 0 : i32
    return %c0_i32, %c0_i32_0 : i32, i32
  }
  func.func @transform_6(%arg0: i32) -> (i32, i32) {
    %c0_i32 = arith.constant 0 : i32
    %c0_i32_0 = arith.constant 0 : i32
    %c0_i32_1 = arith.constant 0 : i32
    return %c0_i32, %c0_i32_0 : i32, i32
  }
  func.func @transform_7(%arg0: i32) -> (i32, i32) {
    %c0_i32 = arith.constant 0 : i32
    %c0_i32_0 = arith.constant 0 : i32
    %c0_i32_1 = arith.constant 0 : i32
    return %c0_i32, %c0_i32_0 : i32, i32
  }
  func.func @transform_8(%arg0: i32) -> (i32, i32) {
    %c0_i32 = arith.constant 0 : i32
    %c0_i32_0 = arith.constant 0 : i32
    %c0_i32_1 = arith.constant 0 : i32
    return %c0_i32, %c0_i32_0 : i32, i32
  }
  func.func @transform_9(%arg0: i32) -> (i32, i32) {
    %c0_i32 = arith.constant 0 : i32
    %c0_i32_0 = arith.constant 0 : i32
    %c0_i32_1 = arith.constant 0 : i32
    return %c0_i32, %c0_i32_0 : i32, i32
  }
  func.func @transform_10(%arg0: i32) -> (i32, i32) {
    %c0_i32 = arith.constant 0 : i32
    %c0_i32_0 = arith.constant 0 : i32
    return %arg0, %c0_i32 : i32, i32
  }
}

</mosaic_0001>

<sc_bundles>
// kernel: kernel.6.cloned.1.call-start
scs
__scs_entry_jumppad:
0x0: {  	(pc) =	sbr.rel $0x88, $3  }
0x1: {  	(tag) =	ssettag $0x0;
	lr =	simm.s32 $0x1  }
0x2: {  	[smem:$0x3F91] =	sst lr;
	_ =	strace $0xD0000000  }
0x3: {  	_ = 	snop  }
0x4: {  	_ = 	snop  }
0x5: {  	_ = 	snop  }
0x6: {  	_ = 	snop  }
0x7: {  	_ = 	snop  }
__scs_overlays_trampoline_lowered:
0x8: {  	[smem:$0x3FA0] =	sst s0  }
0x9: {  	[smem:$0x3FA1] =	sst s1  }
0xa: {  	[smem:$0x3FA2] =	sst s2  }
0xb: {  	[smem:$0x3FA3] =	sst s3  }
0xc: {  	[smem:$0x3FA4] =	sst s4  }
0xd: {  	[smem:$0x3FA5] =	sst s5  }
0xe: {  	[smem:$0x3FA6] =	sst s6  }
0xf: {  	[smem:$0x3FA7] =	sst s7  }
0x10: {  	[smem:$0x3FA8] =	sst s8  }
0x11: {  	[smem:$0x3FA9] =	sst s9;
	s0 =	simm.s32 @!p0 $0x0  }
0x12: {  	s1 =	sld [smem:$0x3F8F];
	s0 =	simm.s32 @p0 $0x1  }
0x13: {  	[smem:$0x3FAA] =	sst s0;
	s0 =	simm.s32 @!p1 $0x0  }
0x14: {  	s2 =	sld [smem:$0x3F8E];
	s0 =	simm.s32 @p1 $0x1  }
0x15: {  	[smem:$0x3FAB] =	sst s0;
	s0 =	simm.s32 @!p2 $0x0  }
0x16: {  	s3 =	sld [smem:$0x3FDB];
	s0 =	simm.s32 @p2 $0x1  }
0x17: {  	s4 =	simm.s32 $0x1BF5;
	[smem:$0x3FAD] =	sst s0  }
0x18: {  	s0 =	sld [smem:$0x3F90];
	_ =	swait.ge [sflag:s4], $0x0  }
0x19: {  	s7 =	sld [smem:$0x3F91]  }
0x1a: {  	s8 =	sadd.s32 $0xFFFFE003, lr  }
0x1b: {  	s9 =	sadd.s32 $0xFFFFFEF7, lr;
	s5 =	simm.s32 $0xFFFFFFFF;
	p2 =	slt.u32 s8, $0xFFFFF086  }
0x1c: {  	p1 =	slt.u32 s9, $0xF7A;
	s5 =	simm.s32 @!p2 $0x0  }
0x1d: {  	s5 =	simm.s32 @p1 $0x1;
	p0 =	seq.s32 s7, s2  }
0x1e: {  	s7 =	smul.u32 @!p0 $0xF7A, s2;
	p2 =	seq.s32 @!p0 s5, $0x0  }
0x1f: {  	s9 =	smul.u32 $0xF7A, s1;
	s8 =	simm.s32 @!p0 $0x1BF5;
	p2 =	por !p2, p0  }
0x20: {  	[sflag:s8] =	ssyncset.s32 @!p0 $0xFFFFF086;
	s6 =	sadd.s32 @!p0 s3, s7;
	s7 =	simm.s32 @!p0 $0x108  }
0x21: {  	s3 =	sadd.s32 s3, s9;
	s6 =	sadd.s32 @!p0 $0x88, s6;
	s7 =	simm.s32 @p2 $0x1082  }
0x22: {  	[simem:s7], [sflag:s8] =	dma.local @!p0 [hbm:s6], $0xF7A  }
0x23: {  	s9 =	sor.u32 $0xD0000000, s2;
	s6 =	simm.s32 $0x108;
	_ =	swait.ge @!p0 [sflag:s8], $0x0  }
0x24: {  	s3 =	sadd.s32 $0x88, s3;
	s6 =	simm.s32 @!p1 $0x1082;
	[sflag:s4] =	ssyncset.s32 $0xFFFFF086  }
0x25: {  	[simem:s6], [sflag:s4] =	dma.local [hbm:s3], $0xF7A  }
0x26: {  	[smem:$0x3F91] =	sst s1;
	(tag) =	ssettag s2;
	_ =	strace s9  }
0x27: {  	s1 =	sld [smem:$0x3FA1]  }
0x28: {  	s2 =	sld [smem:$0x3FA2]  }
0x29: {  	s4 =	sld [smem:$0x3FA4]  }
0x2a: {  	p0 =	seq.s32 s5, $0x0;
	s5 =	sld [smem:$0x3FA5]  }
0x2b: {  	s6 =	sld [smem:$0x3FA6]  }
0x2c: {  	s7 =	sld [smem:$0x3FA7]  }
0x2d: {  	s3 =	simm.s32 $0x108;
	s8 =	sld [smem:$0x3FA8]  }
0x2e: {  	s3 =	simm.s32 @!p0 $0x1082;
	s9 =	sld [smem:$0x3FA9]  }
0x2f: {  	lr =	sadd.s32 s0, s3;
	s0 =	sld [smem:$0x3FA0]  }
0x30: {  	s3 =	sld [smem:$0x3FA3]  }
0x31: {  	[smem:$0x3FAC] =	sst s10  }
0x32: {  	s10 =	sld [smem:$0x3FAA];
	_ =	sdelay $0x3  }
0x33: {  	p0 =	seq.s32 s10, $0x1;
	s10 =	sld [smem:$0x3FAC];
	_ =	sdelay $0x3  }
0x34: {  	[smem:$0x3FAC] =	sst s10  }
0x35: {  	s10 =	sld [smem:$0x3FAB];
	_ =	sdelay $0x3  }
0x36: {  	p1 =	seq.s32 s10, $0x1;
	s10 =	sld [smem:$0x3FAC];
	_ =	sdelay $0x3  }
0x37: {  	[smem:$0x3FAC] =	sst s10  }
0x38: {  	s10 =	sld [smem:$0x3FAD]  }
0x39: {  	_ = 	snop;
	(pc) =	sbr.ind lr, $3  }
0x3a: {  	_ = 	snop  }
0x3b: {  	_ = 	snop  }
0x3c: {  	p2 =	seq.s32 s10, $0x1;
	s10 =	sld [smem:$0x3FAC]  }
0x3d: {  	_ =	shalt  }
0x3e: {  	_ =	shalt  }
0x3f: {  	_ =	shalt  }
0x40: {  	_ =	shalt  }
0x41: {  	_ =	shalt  }
0x42: {  	_ =	shalt  }
0x43: {  	_ =	shalt  }
0x44: {  	_ =	shalt  }
0x45: {  	_ =	shalt  }
0x46: {  	_ =	shalt  }
0x47: {  	_ =	shalt  }
0x48: {  	_ =	shalt  }
0x49: {  	_ =	shalt  }
0x4a: {  	_ =	shalt  }
0x4b: {  	_ =	shalt  }
0x4c: {  	_ =	shalt  }
0x4d: {  	_ =	shalt  }
0x4e: {  	_ =	shalt  }
0x4f: {  	_ =	shalt  }
0x50: {  	_ =	shalt  }
0x51: {  	_ =	shalt  }
0x52: {  	_ =	shalt  }
0x53: {  	_ =	shalt  }
0x54: {  	_ =	shalt  }
0x55: {  	_ =	shalt  }
0x56: {  	_ =	shalt  }
0x57: {  	_ =	shalt  }
0x58: {  	_ =	shalt  }
0x59: {  	_ =	shalt  }
0x5a: {  	_ =	shalt  }
0x5b: {  	_ =	shalt  }
0x5c: {  	_ =	shalt  }
0x5d: {  	_ =	shalt  }
0x5e: {  	_ =	shalt  }
0x5f: {  	_ =	shalt  }
0x60: {  	_ =	shalt  }
0x61: {  	_ =	shalt  }
0x62: {  	_ =	shalt  }
0x63: {  	_ =	shalt  }
0x64: {  	_ =	shalt  }
0x65: {  	_ =	shalt  }
0x66: {  	_ =	shalt  }
0x67: {  	_ =	shalt  }
0x68: {  	_ =	shalt  }
0x69: {  	_ =	shalt  }
0x6a: {  	_ =	shalt  }
0x6b: {  	_ =	shalt  }
0x6c: {  	_ =	shalt  }
0x6d: {  	_ =	shalt  }
0x6e: {  	_ =	shalt  }
0x6f: {  	_ =	shalt  }
0x70: {  	_ =	shalt  }
0x71: {  	_ =	shalt  }
0x72: {  	_ =	shalt  }
0x73: {  	_ =	shalt  }
0x74: {  	_ =	shalt  }
0x75: {  	_ =	shalt  }
0x76: {  	_ =	shalt  }
0x77: {  	_ =	shalt  }
0x78: {  	_ =	shalt  }
0x79: {  	_ =	shalt  }
0x7a: {  	_ =	shalt  }
0x7b: {  	_ =	shalt  }
0x7c: {  	_ =	shalt  }
0x7d: {  	_ =	shalt  }
0x7e: {  	_ =	shalt  }
0x7f: {  	_ =	shalt  }
0x80: {  	_ =	shalt  }
0x81: {  	_ =	shalt  }
0x82: {  	_ =	shalt  }
0x83: {  	_ =	shalt  }
0x84: {  	_ =	shalt  }
0x85: {  	_ =	shalt  }
0x86: {  	_ =	shalt  }
0x87: {  	_ =	shalt  }
.Lfunc_end0:
.L_simem_size_0:
called_computation_lowered:
.L_overlay_start_0:
0x88: {  	s2 =	sld [smem:$0x3FD9]  }
0x89: {  	s3 =	sld [smem:$0x3FFE];
	_ =	sdelay $0x1  }
0x8a: {  	s1 =	srdreg.scid  }
0x8b: {  	s0 =	sand.u32 $0x1, s1  }
0x8c: {  	s14 =	sshll.u32 s0, $0xA;
	s2 =	sadd.s32 s3, s2  }
0x8d: {  	s2 =	sadd.s32 s2, s14  }
0x8e: {  	[smem:$0x3FB8] =	sst s2  }
0x8f: {  	_ = 	snop  }
0x90: {  	s2 =	sld [smem:$0x3FD0];
	_ =	sdelay $0x2  }
0x91: {  	s15 =	simm.s32 $0xA;
	s4 =	simm.s32 $0x10  }
0x92: {  	[smem:s4], [sflag:s15] =	dma.local [hbm:s2], $0x1  }
0x93: {  	_ =	swait.eq [sflag:s15], $0x1  }
0x94: {  	[sflag:s15] =	ssyncset.done $0x0  }
0x95: {  	[sflag:s15] =	ssyncadd.s32 $0xFFFFFFFF  }
0x96: {  	s16 =	sld [smem:$0x11];
	(tm) =	ssettm $0x1  }
0x97: {  	s17 =	sld [smem:$0x3FFB];
	_ =	sdelay $0x3  }
0x98: {  	_ =	strace s17  }
0x99: {  	s3 =	sld [smem:$0x3FFC];
	_ =	sdelay $0x3  }
0x9a: {  	_ =	strace s3  }
0x9b: {  	s3 =	sld [smem:$0x3FFD];
	_ =	sdelay $0x3  }
0x9c: {  	_ =	strace s3  }
0x9d: {  	_ =	strace $0x8FFFFFFF  }
0x9e: {  	s18 =	sld [smem:$0x3FDB];
	_ =	sdelay $0x1  }
0x9f: {  	s19 =	simm.s32 $_scs_section_size  }
0xa0: {  	s5 =	simm.s32 $_size__tile_overlayer_lowered;
	s6 =	simm.s32 $_tile_overlayer_lowered  }
0xa1: {  	s22 =	simm.s32 $0x1BFF;
	s21 =	sshll.u32 s6, $0x1;
	s3 =	sadd.s32 s19, s18  }
0xa2: {  	s7 =	simm.s32 $0x0;
	s20 =	sshll.u32 s5, $0x1;
	s5 =	sadd.s32 s21, s3  }
0xa3: {  	[timem:s7], [sflag:s22] =	dma.local [hbm:s5], s20  }
0xa4: {  	_ =	swait.ge [sflag:s22], s20  }
0xa5: {  	s4 =	ssub.s32 $0x0, s20;
	[sflag:s22] =	ssyncset.done $0x0  }
0xa6: {  	[sflag:s22] =	ssyncadd.s32 s4;
	_ =	sdelay $0x1  }
0xa7: {  	s23 =	simm.s32 $0x1B8B  }
0xa8: {  	_ =	swait.ge [sflag:s23], $0x1  }
0xa9: {  	[sflag:s23] =	ssyncset.done $0x0  }
0xaa: {  	s25 =	simm.s32 $0x1B8E;
	s24 =	sld [smem:$0x3FFE];
	[sflag:s23] =	ssyncadd.s32 $0xFFFFFFFF  }
0xab: {  	s26 =	simm.s32 $execute0_lowered;
	[smem:$0x3FD2] =	sst s25  }
0xac: {  	s5 =	sshll.u32 s26, $0x1;
	_ =	strace $0x80000046;
	[dreg:$0x1] =	wrdreg $0xFFFFFFFF  }
0xad: {  	s28 =	simm.s32 $_size_execute0_lowered;
	s3 =	sadd.s32 s3, s5;
	[dreg:$0x0] =	wrdreg $0x0  }
0xae: {  	s5 =	sshll.u32 s28, $0x1;
	[dreg:$0x2] =	wrdreg s3  }
0xaf: {  	[dreg:$0x3] =	wrdreg s5  }
0xb0: {  	[dreg:$0x4] =	wrdreg $0xC0  }
0xb1: {  	_ =	task [dreg:s7], $0x5FFFF  }
0xb2: {  	[dreg:$0x1] =	wrdreg $0xFFFFFFFF  }
0xb3: {  	[dreg:$0x0] =	wrdreg $0x60  }
0xb4: {  	[dreg:$0x2] =	wrdreg s16  }
0xb5: {  	[dreg:$0x3] =	wrdreg s24  }
0xb6: {  	[dreg:$0x4] =	wrdreg $0x9  }
0xb7: {  	_ =	task.clear_ibuf [dreg:s7], $0x5FFFF;
	_ =	strace $0x90000046  }
0xb8: {  	s29 =	simm.s32 $0x9;
	_ =	strace $0x80000048  }
0xb9: {  	_ =	swait.ge [sflag:s29], $0x1  }
0xba: {  	[sflag:s29] =	ssyncadd.s32 $0xFFFFFFFF  }
0xbb: {  	_ =	strace $0x90000048  }
0xbc: {  	_ =	sfence  }
0xbd: {  	s30 =	sld [smem:$0x0];
	_ =	sdelay $0x2  }
0xbe: {  	s31 =	sshll.u32 s1, $0xD;
	s1 =	sshrl.u32 s1, $0x2  }
0xbf: {  	s3 =	sand.u32 $0x4000, s31;
	s1 =	sadd.s32 s1, s30  }
0xc0: {  	s0 =	sor.u32 s3, s0;
	s1 =	sshll.u32 s1, $0x11  }
0xc1: {  	s0 =	sor.u32 s1, s0  }
0xc2: {  	s0 =	sadd.s32 $0x8F2B, s0  }
0xc3: {  	[sflag:s0] =	ssyncadd.remote.s32 $0x1  }
0xc4: {  	_ =	sfence.sel $0xFFFF  }
0xc5: {  	[dreg:$0x0] =	wrdreg $0xFFFFFFFF;
	(pc) =	sbr.abs _section_cstart, $3  }
0xc6: {  	[dreg:$0x1] =	wrdreg $0xFFFFFFFF  }
0xc7: {  	_ =	task.clear_ibuf [dreg:s7], $0x2FFFF;
	_ =	strace $0x9FFFFFFF  }
0xc8: {  	(tm) =	ssettm $0x7FFFFFFF  }
0xc9: {  	_ =	shalt  }
tec
execute0_lowered:
.L_overlay_start_1:
0x0: {  	(tag) =	ssettag $0x1  }
0x1: {  	s2 =	rddreg [dreg:$0x0]  }
0x2: {  	s4 =	rddreg [dreg:$0x1];
	s0 =	stileid.u32  }
0x3: {  	s3 =	srdreg.scid;
	s1 =	rddreg [dreg:$0x2]  }
0x4: {  	s10 =	simm.s32 $0x3B80;
	s11 =	simm.s32 $0x1;
	s5 =	smul.u32 $0x2B80, s0  }
0x5: {  	s12 =	sand.u32 $0x1, s3;
	s6 =	smul.u32 $0x3B80, s0;
	s3 =	simm.s32 $0x0  }
0x6: {  	p0 =	seq.s32 s12, $0x0;
	[smem:$0x7FF] =	sst s3;
	s7 =	ssub.s32 $0x2, s12  }
0x7: {  	s5 =	sadd.s32 $0x3B800, s5;
	_ =	strace $0x80000047;
	s8 =	sshrl.u32 s7, $0x1  }
.Ltmp0:
0x8: {  	s5 =	smov.u32 @p0 s6;
	s31 =	ssub.s32 s7, s8;
	(pc) =	sbr.rel .LBB2_1-.Ltmp0, $4  }
0x9: {  	s8 =	simm.s32 $0x2;
	p0 =	sne.s32 s12, $0x0;
	s6 =	sshrl.u32 s5, $0x3  }
0xa: {  	s12 =	simm.s32 $0x0;
	s5 =	sshll.u32 s5, $0x4;
	s6 =	sadd.s32 s6, s4  }
0xb: {  	s9 =	sadd.s32 s5, s4;
	s5 =	smax.u32 s31, $0x1;
	s4 =	sadd.s32 $0x1800, s6  }
0xc: {  	s6 =	sadd.s32 $0xE800, s9;
	s7 =	sadd.s32 $0x3A000, s9;
	s9 =	simm.s32 $0x80  }
.LBB2_6:
0xd: {  	s14 =	sadd.s32 $0x2B80, s15;
	[sflag:s8] =	ssyncadd.s32 $0xFFFFC000  }
0xe: {  	[tilespmem:s10], [sflag:$0x1] =	stream.indirect.gather [hbm4b:s2+s9], $0x80, s14, s9, $0xb8;
	[tilespmem:$0x7B80] =	vst v63  }
0xf: {  	_ =	swait.ge [sflag:s11], $0x4000  }
0x10: {  	[sflag:s11] =	ssyncset.done $0x0  }
0x11: {  	[sflag:s11] =	ssyncadd.s32 $0xFFFFC000  }
0x12: {  	[hbm4b:s13+s3] =	stream.linear.scatter [tilespmem:s10], [sflag:$0x2], $0x4000, $0x38;
	[tilespmem:$0x7B80] =	vst v63  }
0x13: {  	_ =	swait.ge [sflag:s8], $0x4000  }
0x14: {  	[sflag:s8] =	ssyncset.done $0x0  }
0x15: {  	[sflag:s8] =	ssyncadd.s32 $0xFFFFC000  }
.LBB2_7:
0x16: {  	s12 =	sadd.s32 $0x1, s12  }
0x17: {  	p1 =	sne.s32 s12, s5  }
.Ltmp1:
0x18: {  	_ = 	snop;
	(pc) =	sbr.rel @!p1 .LBB2_8-.Ltmp1, $1  }
0x19: {  	_ =	sdelay $0x3  }
.LBB2_1:
0x1a: {  	[tilespmem:s3], [sflag:$0x2] =	stream.linear.gather [hbm4b:s4+s3], $0x3B80, $0x38;
	[tilespmem:$0x7B80] =	vst v63  }
0x1b: {  	_ =	swait.ge [sflag:s8], $0x3B80  }
0x1c: {  	[sflag:s8] =	ssyncset.done $0x0  }
0x1d: {  	s13 =	simm.s32 $0x0;
	[sflag:s8] =	ssyncadd.s32 $0xFFFFC480  }
0x1e: {  	[tilespmem:s10], [sflag:$0x1] =	stream.indirect.gather [hbm4b:s2+s9], $0x80, s13, s9, $0xb8;
	[tilespmem:$0x7B80] =	vst v63  }
0x1f: {  	_ =	swait.ge [sflag:s11], $0x4000  }
0x20: {  	[sflag:s11] =	ssyncset.done $0x0  }
0x21: {  	[sflag:s11] =	ssyncadd.s32 $0xFFFFC000  }
0x22: {  	[hbm4b:s6+s3] =	stream.linear.scatter [tilespmem:s10], [sflag:$0x2], $0x4000, $0x38;
	[tilespmem:$0x7B80] =	vst v63  }
0x23: {  	s14 =	simm.s32 $0x200;
	_ =	swait.ge [sflag:s8], $0x4000  }
0x24: {  	s15 =	simm.s32 $0x400;
	s13 =	sadd.s32 $0x800, s6;
	[sflag:s8] =	ssyncset.done $0x0  }
.LBB2_2:
0x25: {  	s16 =	sshra.s32 s14, $0x2  }
0x26: {  	[sflag:s8] =	ssyncadd.s32 $0xFFFFC000;
	s14 =	smov.u32 s15;
	s17 =	sadd.s32 $0x200, s15  }
0x27: {  	[tilespmem:s10], [sflag:$0x1] =	stream.indirect.gather [hbm4b:s2+s9], $0x80, s16, s9, $0xb8;
	[tilespmem:$0x7B80] =	vst v63  }
0x28: {  	p1 =	sne.s32 s15, $0xAC00;
	_ =	swait.ge [sflag:s11], $0x4000  }
.Ltmp2:
0x29: {  	[sflag:s11] =	ssyncset.done $0x0;
	(pc) =	sbr.rel @p1 .LBB2_2-.Ltmp2, $4  }
0x2a: {  	[sflag:s11] =	ssyncadd.s32 $0xFFFFC000  }
0x2b: {  	[hbm4b:s13+s3] =	stream.linear.scatter [tilespmem:s10], [sflag:$0x2], $0x4000, $0x38;
	[tilespmem:$0x7B80] =	vst v63  }
0x2c: {  	_ =	swait.ge [sflag:s8], $0x4000  }
0x2d: {  	s15 =	smov.u32 s17;
	s13 =	sadd.s32 $0x800, s13;
	[sflag:s8] =	ssyncset.done $0x0  }
0x2e: {  	s14 =	sshra.s32 s14, $0x2;
	[sflag:s8] =	ssyncadd.s32 $0xFFFFC000  }
0x2f: {  	[tilespmem:s10], [sflag:$0x1] =	stream.indirect.gather [hbm4b:s2+s9], $0x80, s14, s9, $0xb8;
	[tilespmem:$0x7B80] =	vst v63  }
0x30: {  	_ =	swait.ge [sflag:s11], $0x4000  }
0x31: {  	[sflag:s11] =	ssyncset.done $0x0  }
.Ltmp3:
0x32: {  	[sflag:s11] =	ssyncadd.s32 $0xFFFFC000;
	(pc) =	sbr.rel @p0 .LBB2_7-.Ltmp3, $4  }
0x33: {  	[hbm4b:s13+s3] =	stream.linear.scatter [tilespmem:s10], [sflag:$0x2], $0x4000, $0x38;
	[tilespmem:$0x7B80] =	vst v63  }
0x34: {  	_ =	swait.ge [sflag:s8], $0x4000  }
0x35: {  	[sflag:s8] =	ssyncset.done $0x0  }
0x36: {  	[sflag:s8] =	ssyncadd.s32 $0xFFFFC000  }
0x37: {  	s13 =	simm.s32 $0x2B80  }
0x38: {  	[tilespmem:s10], [sflag:$0x1] =	stream.indirect.gather [hbm4b:s2+s9], $0x80, s13, s9, $0xb8;
	[tilespmem:$0x7B80] =	vst v63  }
0x39: {  	_ =	swait.ge [sflag:s11], $0x4000  }
0x3a: {  	[sflag:s11] =	ssyncset.done $0x0  }
0x3b: {  	[sflag:s11] =	ssyncadd.s32 $0xFFFFC000  }
0x3c: {  	[hbm4b:s7+s3] =	stream.linear.scatter [tilespmem:s10], [sflag:$0x2], $0x4000, $0x38;
	[tilespmem:$0x7B80] =	vst v63  }
0x3d: {  	s14 =	simm.s32 $0x400;
	_ =	swait.ge [sflag:s8], $0x4000  }
0x3e: {  	s15 =	simm.s32 $0x80;
	s13 =	sadd.s32 $0x800, s7;
	[sflag:s8] =	ssyncset.done $0x0  }
.LBB2_5:
0x3f: {  	s15 =	sadd.s32 $0x2B80, s15  }
0x40: {  	[sflag:s8] =	ssyncadd.s32 $0xFFFFC000;
	s16 =	smov.u32 s14;
	s17 =	sadd.s32 $0x200, s14  }
0x41: {  	[tilespmem:s10], [sflag:$0x1] =	stream.indirect.gather [hbm4b:s2+s9], $0x80, s15, s9, $0xb8;
	[tilespmem:$0x7B80] =	vst v63  }
0x42: {  	p1 =	sne.s32 s14, $0x3E00;
	_ =	swait.ge [sflag:s11], $0x4000  }
.Ltmp4:
0x43: {  	[sflag:s11] =	ssyncset.done $0x0;
	(pc) =	sbr.rel @p1 .LBB2_5-.Ltmp4, $4  }
0x44: {  	[sflag:s11] =	ssyncadd.s32 $0xFFFFC000  }
0x45: {  	[hbm4b:s13+s3] =	stream.linear.scatter [tilespmem:s10], [sflag:$0x2], $0x4000, $0x38;
	[tilespmem:$0x7B80] =	vst v63  }
0x46: {  	s15 =	sshra.s32 s16, $0x2;
	_ =	swait.ge [sflag:s8], $0x4000  }
0x47: {  	s14 =	smov.u32 s17;
	s13 =	sadd.s32 $0x800, s13;
	[sflag:s8] =	ssyncset.done $0x0  }
.Ltmp5:
0x48: {  	_ = 	snop;
	(pc) =	sbr.rel .LBB2_6-.Ltmp5, $1  }
0x49: {  	_ =	sdelay $0x3  }
.LBB2_8:
0x4a: {  	_ =	sfence.sel $0x180000  }
0x4b: {  	[bflag:$0x0] =	sbarrier.arrive $0xFFFF  }
0x4c: {  	p0 =	sne.s32 s0, $0x0;
	_ =	strace $0x90000047  }
0x4d: {  	s0 =	sadd.s32 @!p0 $0x100000, s1;
	[bflag:$0x2] =	sbarrier.arrive $0xFFFF  }
0x4e: {  	[sflag:s0] =	ssyncadd.tile.s32 @!p0 $0x1;
	_ =	shalt  }
.Lfunc_end2:
_tile_overlayer_lowered:
.L_overlay_start_2:
0x4f: {  	(tag) =	ssettag $0x2  }
0x50: {  	s0 =	rddreg [dreg:$0x0];
	s2 =	stileid.u32  }
0x51: {  	s1 =	rddreg [dreg:$0x1];
	p0 =	sne.s32 s2, $0x0  }
0x52: {  	s3 =	rddreg [dreg:$0x2];
	[bflag:$0x3] =	sbarrier.arrive $0xFFFF;
	s2 =	simm.s32 @!p0 $0x1C02  }
0x53: {  	[timem:s3], [sflag:s2] =	dma.local @!p0 [hbm:s0], s1  }
0x54: {  	s0 =	simm.s32 @!p0 $0x2  }
0x55: {  	_ =	swait.ge @!p0 [sflag:s0], s1  }
0x56: {  	s1 =	ssub.s32 @!p0 $0x0, s1;
	[sflag:s0] =	ssyncset.done @!p0 $0x0  }
0x57: {  	[sflag:s0] =	ssyncadd.s32 @!p0 s1  }
0x58: {  	[bflag:$0x3] =	sbarrier.arrive $0xFFFF  }
0x59: {  	_ =	shalt  }

</sc_bundles>
